<compile_context>
chip_gen: v7x
topology: tpu7x:2x2x1
jax: 0.10.2.dev20260603
libtpu: 0.0.44.dev20260713+nightly
codegen_flags: <defaults>
</compile_context>

<pallas_src>
import functools

import jax
import jax.numpy as jnp
from jax import lax
from jax.experimental import pallas as pl
from jax.experimental.pallas import tpu as pltpu
from jax.experimental.pallas import tpu_sc as plsc

_NUM_WORKERS = 32
_CHUNK = 400


def _sc_gather(idx_flat, weight):
    n = idx_flat.shape[0]
    d = weight.shape[1]
    per_w = n // _NUM_WORKERS
    nc = per_w // _CHUNK
    assert nc % 2 == 0 and nc >= 6

    mesh = plsc.VectorSubcoreMesh(core_axis_name="c", subcore_axis_name="s")

    @functools.partial(
        pl.kernel,
        out_type=jax.ShapeDtypeStruct((n, d), jnp.float32),
        mesh=mesh,
        scratch_types=[
            pltpu.VMEM_SHARED(weight.shape, jnp.float32),
            pltpu.VMEM((_CHUNK,), jnp.int32),
            pltpu.VMEM((_CHUNK,), jnp.int32),
            pltpu.VMEM((2, _CHUNK, d), jnp.float32),
            [pltpu.SemaphoreType.DMA] * 2,
            [pltpu.SemaphoreType.DMA] * 2,
            [pltpu.SemaphoreType.DMA] * 2,
        ],
    )
    def k(idx_hbm, table_hbm, out_hbm, table_sh, idx_v0, idx_v1, rows_v,
          isems, gsems, osems):
        sid = lax.axis_index("s")
        wid = sid * 2 + lax.axis_index("c")
        base = pl.multiple_of(wid * per_w, 8)

        idx_bufs = (idx_v0, idx_v1)

        def ixstart(g, b):
            off = pl.multiple_of(base + g * _CHUNK, 8)
            pltpu.async_copy(idx_hbm.at[pl.ds(off, _CHUNK)], idx_bufs[b],
                             isems[b])

        def ixwait(b):
            pltpu.make_async_copy(
                idx_hbm.at[pl.ds(base, _CHUNK)], idx_bufs[b], isems[b]
            ).wait()

        def gstart(b):
            pltpu.async_copy(
                table_sh.at[idx_bufs[b]], rows_v.at[b], gsems[b]
            )

        def gwait(b):
            pltpu.make_async_copy(
                table_sh.at[idx_bufs[b]], rows_v.at[b], gsems[b]
            ).wait()

        def ostart(g, b):
            off = pl.multiple_of(base + g * _CHUNK, 8)
            pltpu.async_copy(
                rows_v.at[b], out_hbm.at[pl.ds(off, _CHUNK)], osems[b]
            )

        def owait(b):
            pltpu.make_async_copy(
                rows_v.at[b], out_hbm.at[pl.ds(base, _CHUNK)], osems[b]
            ).wait()


        ixstart(0, 0)
        ixstart(1, 1)

        @pl.when(sid == 0)
        def _():
            pltpu.sync_copy(table_hbm, table_sh)

        plsc.subcore_barrier()

        ixwait(0)
        gstart(0)

        gwait(0)
        ostart(0, 0)
        ixstart(2, 0)
        ixwait(1)
        gstart(1)

        def body(i, carry):
            for b in (1, 0):
                g = 2 * i - 1 + (1 - b)
                bn = 1 - b
                gwait(b)
                ostart(g, b)
                ixstart(g + 2, b)
                ixwait(bn)
                owait(bn)
                gstart(bn)
            return carry

        lax.fori_loop(1, (nc - 2) // 2, body, 0)

        gwait(1)
        ostart(nc - 3, 1)
        ixstart(nc - 1, 1)
        ixwait(0)
        owait(0)
        gstart(0)

        gwait(0)
        ostart(nc - 2, 0)
        ixwait(1)
        owait(1)
        gstart(1)

        gwait(1)
        ostart(nc - 1, 1)

        owait(0)
        owait(1)

    return k(idx_flat, weight)


def kernel(label_ids, weight):
    b, l = label_ids.shape
    d = weight.shape[1]
    idx_flat = label_ids.reshape(-1).astype(jnp.int32)
    out = _sc_gather(idx_flat, weight)
    return out.reshape(b, l, d)

# --- scband reference (transcript-rebuilt; emitter-appended) ---
"""Pipeline reference for scband-reason-embedding-5506148073891 (READ-ONLY COPY).

The authoritative reference and input builder live on the scoring server;
editing this copy changes nothing except your own understanding.
"""

import jax, jax.numpy as jnp
import numpy as np

NUM_LABELS = 1000
D_MODEL = 128
B = 4096
L = 200

def setup_inputs(seed: int = 0) -> dict:
    key = jax.random.key(seed)
    k_idx, k_w = jax.random.split(key)
    label_ids = jax.random.randint(k_idx, (B, L), 0, NUM_LABELS, dtype=jnp.int64 if jax.config.jax_enable_x64 else jnp.int32)
    # nn.Embedding default init: N(0, 1)
    weight = jax.random.normal(k_w, (NUM_LABELS, D_MODEL), dtype=jnp.float32)
    return {"label_ids": label_ids, "weight": weight}

def reference(label_ids, weight):
    # Faithful translation of nn.Embedding forward: gather rows of the table.
    return jnp.take(weight, label_ids, axis=0)  # [B, L, D]

if __name__ == "__main__":
    import jax
    _d = setup_inputs()
    print(jax.jit(kernel)(*tuple(_d.values())))

</pallas_src>

<mosaic_0001>
#map = affine_map<(d0, d1) -> (0)>
#map1 = affine_map<(d0, d1) -> (0, 0)>
module attributes {stable_mosaic.version = 14 : i64} {
  func.func @k(%arg0: i32, %arg1: i32, %arg2: memref<819200xi32, #tpu.memory_space<hbm>>, %arg3: memref<1000x128xf32, #tpu.memory_space<hbm>>, %arg4: memref<819200x128xf32, #tpu.memory_space<hbm>>, %arg5: memref<1000x128xf32, #tpu.memory_space<vmem_shared>>, %arg6: memref<400xi32, #tpu.memory_space<vmem>>, %arg7: memref<400xi32, #tpu.memory_space<vmem>>, %arg8: memref<2x400x128xf32, #tpu.memory_space<vmem>>, %arg9: memref<!tpu.dma_semaphore, #tpu.memory_space<semaphore_mem>>, %arg10: memref<!tpu.dma_semaphore, #tpu.memory_space<semaphore_mem>>, %arg11: memref<!tpu.dma_semaphore, #tpu.memory_space<semaphore_mem>>, %arg12: memref<!tpu.dma_semaphore, #tpu.memory_space<semaphore_mem>>, %arg13: memref<!tpu.dma_semaphore, #tpu.memory_space<semaphore_mem>>, %arg14: memref<!tpu.dma_semaphore, #tpu.memory_space<semaphore_mem>>) attributes {dimension_semantics = [#tpu.dimension_semantics<core_parallel>, #tpu.dimension_semantics<subcore_parallel>], iteration_bounds = array<i64: 2, 16>, scalar_prefetch = 0 : i64, scratch_operands = 10 : i64, tpu.core_type = #tpu.core_type<sc_vector_subcore>, window_params = [{transform_indices = #map}, {transform_indices = #map1}, {transform_indices = #map1}]} {
    %mul3A = arith.constant 2 : i32
    %mul3A_0 = arith.muli %arg1, %mul3A : i32
    %add3A = arith.addi %mul3A_0, %arg0 : i32
    %mul3A_1 = arith.constant 25600 : i32
    %mul3A_2 = arith.muli %add3A, %mul3A_1 : i32
    %multiple_of3A = tpu.assume_multiple %mul3A_2, 8 : i32
    %add3A_3 = arith.constant 0 : i32
    %add3A_4 = arith.addi %multiple_of3A, %add3A_3 : i32
    %multiple_of3A_5 = tpu.assume_multiple %add3A_4, 8 : i32
    %dma_start3A = tpu.memref_slice %arg2[%multiple_of3A_5] : memref<819200xi32, #tpu.memory_space<hbm>> -> memref<400xi32, #tpu.memory_space<hbm>>
    %dma_start3A_6 = tpu.memref_slice %arg2[%multiple_of3A_5] : memref<819200xi32, #tpu.memory_space<hbm>> -> memref<400xi32, #tpu.memory_space<hbm>>
    tpu.enqueue_dma source(%dma_start3A_6 : memref<400xi32, #tpu.memory_space<hbm>>) target(%arg6 : memref<400xi32, #tpu.memory_space<vmem>>) target_semaphore(%arg9 : memref<!tpu.dma_semaphore, #tpu.memory_space<semaphore_mem>>)
    %add3A_7 = arith.constant 400 : i32
    %add3A_8 = arith.addi %multiple_of3A, %add3A_7 : i32
    %multiple_of3A_9 = tpu.assume_multiple %add3A_8, 8 : i32
    %dma_start3A_10 = tpu.memref_slice %arg2[%multiple_of3A_9] : memref<819200xi32, #tpu.memory_space<hbm>> -> memref<400xi32, #tpu.memory_space<hbm>>
    %dma_start3A_11 = tpu.memref_slice %arg2[%multiple_of3A_9] : memref<819200xi32, #tpu.memory_space<hbm>> -> memref<400xi32, #tpu.memory_space<hbm>>
    tpu.enqueue_dma source(%dma_start3A_11 : memref<400xi32, #tpu.memory_space<hbm>>) target(%arg7 : memref<400xi32, #tpu.memory_space<vmem>>) target_semaphore(%arg10 : memref<!tpu.dma_semaphore, #tpu.memory_space<semaphore_mem>>)
    %eq3A = arith.constant 0 : i32
    %eq3A_12 = arith.cmpi eq, %arg1, %eq3A : i32
    %convert_element_type3A = arith.extui %eq3A_12 : i1 to i32
    %cond3A = arith.constant 0 : i32
    %cond3A_13 = arith.cmpi ne, %convert_element_type3A, %cond3A : i32
    scf.if %cond3A_13 {
      "tpu.region"() ({
        %run_scoped3A = tpu.sem_alloc : memref<!tpu.dma_semaphore, #tpu.memory_space<semaphore_mem>>
        tpu.enqueue_dma source(%arg3 : memref<1000x128xf32, #tpu.memory_space<hbm>>) target(%arg5 : memref<1000x128xf32, #tpu.memory_space<vmem_shared>>) target_semaphore(%run_scoped3A : memref<!tpu.dma_semaphore, #tpu.memory_space<semaphore_mem>>)
        tpu.wait_dma2 semaphore(%run_scoped3A : memref<!tpu.dma_semaphore, #tpu.memory_space<semaphore_mem>>) src(%arg3 : memref<1000x128xf32, #tpu.memory_space<hbm>>) dst(%arg5 : memref<1000x128xf32, #tpu.memory_space<vmem_shared>>)
        tpu.yield
      }) : () -> ()
    } else {
    }
    %barrier3A = arith.constant 0 : index
    tpu.barrier barrier_id(%barrier3A)
    %dma_wait3A = tpu.memref_slice %arg2[%multiple_of3A] : memref<819200xi32, #tpu.memory_space<hbm>> -> memref<400xi32, #tpu.memory_space<hbm>>
    %dma_wait3A_14 = tpu.memref_slice %arg2[%multiple_of3A] : memref<819200xi32, #tpu.memory_space<hbm>> -> memref<400xi32, #tpu.memory_space<hbm>>
    tpu.wait_dma2 semaphore(%arg9 : memref<!tpu.dma_semaphore, #tpu.memory_space<semaphore_mem>>) src(%dma_wait3A_14 : memref<400xi32, #tpu.memory_space<hbm>>) dst(%arg6 : memref<400xi32, #tpu.memory_space<vmem>>)
    %dma_start3A_15 = arith.constant 0 : i32
    %dma_start3A_16 = arith.constant 0 : i32
    %dma_start3A_17 = arith.constant 0 : i32
    %dma_start3A_18 = tpu.memref_slice %arg8[%dma_start3A_15, %dma_start3A_16, %dma_start3A_17] : memref<2x400x128xf32, #tpu.memory_space<vmem>> -> memref<1x400x128xf32, #tpu.memory_space<vmem>>
    %dma_start3A_19 = tpu.memref_squeeze %dma_start3A_18 : memref<1x400x128xf32, #tpu.memory_space<vmem>> -> memref<400x128xf32, #tpu.memory_space<vmem>>
    %dma_start3A_20 = arith.constant 0 : i32
    %dma_start3A_21 = arith.constant 0 : i32
    %dma_start3A_22 = tpu.memref_slice %arg5[%dma_start3A_20, %dma_start3A_21] : memref<1000x128xf32, #tpu.memory_space<vmem_shared>> -> memref<1000x128xf32, #tpu.memory_space<vmem_shared>>
    tpu.enqueue_indirect_dma source(%dma_start3A_22 : memref<1000x128xf32, #tpu.memory_space<vmem_shared>>) target(%dma_start3A_19 : memref<400x128xf32, #tpu.memory_space<vmem>>) offsets(%arg6 : memref<400xi32, #tpu.memory_space<vmem>>) semaphore(%arg11 : memref<!tpu.dma_semaphore, #tpu.memory_space<semaphore_mem>>)
    %dma_wait3A_23 = arith.constant 0 : i32
    %dma_wait3A_24 = arith.constant 0 : i32
    %dma_wait3A_25 = arith.constant 0 : i32
    %dma_wait3A_26 = tpu.memref_slice %arg8[%dma_wait3A_23, %dma_wait3A_24, %dma_wait3A_25] : memref<2x400x128xf32, #tpu.memory_space<vmem>> -> memref<1x400x128xf32, #tpu.memory_space<vmem>>
    %dma_wait3A_27 = tpu.memref_squeeze %dma_wait3A_26 : memref<1x400x128xf32, #tpu.memory_space<vmem>> -> memref<400x128xf32, #tpu.memory_space<vmem>>
    %dma_wait3A_28 = arith.constant 0 : i32
    %dma_wait3A_29 = arith.constant 0 : i32
    %dma_wait3A_30 = tpu.memref_slice %arg5[%dma_wait3A_28, %dma_wait3A_29] : memref<1000x128xf32, #tpu.memory_space<vmem_shared>> -> memref<1000x128xf32, #tpu.memory_space<vmem_shared>>
    tpu.wait_indirect_dma semaphore(%arg11 : memref<!tpu.dma_semaphore, #tpu.memory_space<semaphore_mem>>) src(%dma_wait3A_30 : memref<1000x128xf32, #tpu.memory_space<vmem_shared>>) dst(%dma_wait3A_27 : memref<400x128xf32, #tpu.memory_space<vmem>>)
    %add3A_31 = arith.constant 0 : i32
    %add3A_32 = arith.addi %multiple_of3A, %add3A_31 : i32
    %multiple_of3A_33 = tpu.assume_multiple %add3A_32, 8 : i32
    %dma_start3A_34 = arith.constant 0 : i32
    %dma_start3A_35 = arith.constant 0 : i32
    %dma_start3A_36 = arith.constant 0 : i32
    %dma_start3A_37 = tpu.memref_slice %arg8[%dma_start3A_34, %dma_start3A_35, %dma_start3A_36] : memref<2x400x128xf32, #tpu.memory_space<vmem>> -> memref<1x400x128xf32, #tpu.memory_space<vmem>>
    %dma_start3A_38 = tpu.memref_squeeze %dma_start3A_37 : memref<1x400x128xf32, #tpu.memory_space<vmem>> -> memref<400x128xf32, #tpu.memory_space<vmem>>
    %dma_start3A_39 = arith.constant 0 : i32
    %dma_start3A_40 = tpu.memref_slice %arg4[%multiple_of3A_33, %dma_start3A_39] : memref<819200x128xf32, #tpu.memory_space<hbm>> -> memref<400x128xf32, #tpu.memory_space<hbm>>
    %dma_start3A_41 = arith.constant 0 : i32
    %dma_start3A_42 = tpu.memref_slice %arg4[%multiple_of3A_33, %dma_start3A_41] : memref<819200x128xf32, #tpu.memory_space<hbm>> -> memref<400x128xf32, #tpu.memory_space<hbm>>
    %dma_start3A_43 = arith.constant 0 : i32
    %dma_start3A_44 = arith.constant 0 : i32
    %dma_start3A_45 = tpu.memref_slice %arg8[%dma_start3A_34, %dma_start3A_43, %dma_start3A_44] : memref<2x400x128xf32, #tpu.memory_space<vmem>> -> memref<1x400x128xf32, #tpu.memory_space<vmem>>
    %dma_start3A_46 = tpu.memref_squeeze %dma_start3A_45 : memref<1x400x128xf32, #tpu.memory_space<vmem>> -> memref<400x128xf32, #tpu.memory_space<vmem>>
    tpu.enqueue_dma source(%dma_start3A_46 : memref<400x128xf32, #tpu.memory_space<vmem>>) target(%dma_start3A_42 : memref<400x128xf32, #tpu.memory_space<hbm>>) target_semaphore(%arg13 : memref<!tpu.dma_semaphore, #tpu.memory_space<semaphore_mem>>)
    %add3A_47 = arith.constant 800 : i32
    %add3A_48 = arith.addi %multiple_of3A, %add3A_47 : i32
    %multiple_of3A_49 = tpu.assume_multiple %add3A_48, 8 : i32
    %dma_start3A_50 = tpu.memref_slice %arg2[%multiple_of3A_49] : memref<819200xi32, #tpu.memory_space<hbm>> -> memref<400xi32, #tpu.memory_space<hbm>>
    %dma_start3A_51 = tpu.memref_slice %arg2[%multiple_of3A_49] : memref<819200xi32, #tpu.memory_space<hbm>> -> memref<400xi32, #tpu.memory_space<hbm>>
    tpu.enqueue_dma source(%dma_start3A_51 : memref<400xi32, #tpu.memory_space<hbm>>) target(%arg6 : memref<400xi32, #tpu.memory_space<vmem>>) target_semaphore(%arg9 : memref<!tpu.dma_semaphore, #tpu.memory_space<semaphore_mem>>)
    %dma_wait3A_52 = tpu.memref_slice %arg2[%multiple_of3A] : memref<819200xi32, #tpu.memory_space<hbm>> -> memref<400xi32, #tpu.memory_space<hbm>>
    %dma_wait3A_53 = tpu.memref_slice %arg2[%multiple_of3A] : memref<819200xi32, #tpu.memory_space<hbm>> -> memref<400xi32, #tpu.memory_space<hbm>>
    tpu.wait_dma2 semaphore(%arg10 : memref<!tpu.dma_semaphore, #tpu.memory_space<semaphore_mem>>) src(%dma_wait3A_53 : memref<400xi32, #tpu.memory_space<hbm>>) dst(%arg7 : memref<400xi32, #tpu.memory_space<vmem>>)
    %dma_start3A_54 = arith.constant 1 : i32
    %dma_start3A_55 = arith.constant 0 : i32
    %dma_start3A_56 = arith.constant 0 : i32
    %dma_start3A_57 = tpu.memref_slice %arg8[%dma_start3A_54, %dma_start3A_55, %dma_start3A_56] : memref<2x400x128xf32, #tpu.memory_space<vmem>> -> memref<1x400x128xf32, #tpu.memory_space<vmem>>
    %dma_start3A_58 = tpu.memref_squeeze %dma_start3A_57 : memref<1x400x128xf32, #tpu.memory_space<vmem>> -> memref<400x128xf32, #tpu.memory_space<vmem>>
    %dma_start3A_59 = arith.constant 0 : i32
    %dma_start3A_60 = arith.constant 0 : i32
    %dma_start3A_61 = tpu.memref_slice %arg5[%dma_start3A_59, %dma_start3A_60] : memref<1000x128xf32, #tpu.memory_space<vmem_shared>> -> memref<1000x128xf32, #tpu.memory_space<vmem_shared>>
    tpu.enqueue_indirect_dma source(%dma_start3A_61 : memref<1000x128xf32, #tpu.memory_space<vmem_shared>>) target(%dma_start3A_58 : memref<400x128xf32, #tpu.memory_space<vmem>>) offsets(%arg7 : memref<400xi32, #tpu.memory_space<vmem>>) semaphore(%arg12 : memref<!tpu.dma_semaphore, #tpu.memory_space<semaphore_mem>>)
    %scan3A = arith.constant 0 : i32
    %scan3A_62 = arith.constant 1 : i32
    %scan3A_63 = arith.constant 30 : i32
    %scan3A_64 = arith.addi %scan3A_62, %scan3A_63 : i32
    %scan3A_65 = arith.constant 1 : i32
    scf.for %scan3A_216 = %scan3A_62 to %scan3A_64 step %scan3A_65  : i32 {
      %mul3A_217 = arith.constant 2 : i32
      %mul3A_218 = arith.muli %mul3A_217, %scan3A_216 : i32
      %sub3A = arith.constant 1 : i32
      %sub3A_219 = arith.subi %mul3A_218, %sub3A : i32
      %add3A_220 = arith.constant 0 : i32
      %add3A_221 = arith.addi %sub3A_219, %add3A_220 : i32
      %dma_wait3A_222 = arith.constant 1 : i32
      %dma_wait3A_223 = arith.constant 0 : i32
      %dma_wait3A_224 = arith.constant 0 : i32
      %dma_wait3A_225 = tpu.memref_slice %arg8[%dma_wait3A_222, %dma_wait3A_223, %dma_wait3A_224] : memref<2x400x128xf32, #tpu.memory_space<vmem>> -> memref<1x400x128xf32, #tpu.memory_space<vmem>>
      %dma_wait3A_226 = tpu.memref_squeeze %dma_wait3A_225 : memref<1x400x128xf32, #tpu.memory_space<vmem>> -> memref<400x128xf32, #tpu.memory_space<vmem>>
      %dma_wait3A_227 = arith.constant 0 : i32
      %dma_wait3A_228 = arith.constant 0 : i32
      %dma_wait3A_229 = tpu.memref_slice %arg5[%dma_wait3A_227, %dma_wait3A_228] : memref<1000x128xf32, #tpu.memory_space<vmem_shared>> -> memref<1000x128xf32, #tpu.memory_space<vmem_shared>>
      tpu.wait_indirect_dma semaphore(%arg12 : memref<!tpu.dma_semaphore, #tpu.memory_space<semaphore_mem>>) src(%dma_wait3A_229 : memref<1000x128xf32, #tpu.memory_space<vmem_shared>>) dst(%dma_wait3A_226 : memref<400x128xf32, #tpu.memory_space<vmem>>)
      %mul3A_230 = arith.constant 400 : i32
      %mul3A_231 = arith.muli %add3A_221, %mul3A_230 : i32
      %add3A_232 = arith.addi %multiple_of3A, %mul3A_231 : i32
      %multiple_of3A_233 = tpu.assume_multiple %add3A_232, 8 : i32
      %dma_start3A_234 = arith.constant 1 : i32
      %dma_start3A_235 = arith.constant 0 : i32
      %dma_start3A_236 = arith.constant 0 : i32
      %dma_start3A_237 = tpu.memref_slice %arg8[%dma_start3A_234, %dma_start3A_235, %dma_start3A_236] : memref<2x400x128xf32, #tpu.memory_space<vmem>> -> memref<1x400x128xf32, #tpu.memory_space<vmem>>
      %dma_start3A_238 = tpu.memref_squeeze %dma_start3A_237 : memref<1x400x128xf32, #tpu.memory_space<vmem>> -> memref<400x128xf32, #tpu.memory_space<vmem>>
      %dma_start3A_239 = arith.constant 0 : i32
      %dma_start3A_240 = tpu.memref_slice %arg4[%multiple_of3A_233, %dma_start3A_239] : memref<819200x128xf32, #tpu.memory_space<hbm>> -> memref<400x128xf32, #tpu.memory_space<hbm>>
      %dma_start3A_241 = arith.constant 0 : i32
      %dma_start3A_242 = tpu.memref_slice %arg4[%multiple_of3A_233, %dma_start3A_241] : memref<819200x128xf32, #tpu.memory_space<hbm>> -> memref<400x128xf32, #tpu.memory_space<hbm>>
      %dma_start3A_243 = arith.constant 0 : i32
      %dma_start3A_244 = arith.constant 0 : i32
      %dma_start3A_245 = tpu.memref_slice %arg8[%dma_start3A_234, %dma_start3A_243, %dma_start3A_244] : memref<2x400x128xf32, #tpu.memory_space<vmem>> -> memref<1x400x128xf32, #tpu.memory_space<vmem>>
      %dma_start3A_246 = tpu.memref_squeeze %dma_start3A_245 : memref<1x400x128xf32, #tpu.memory_space<vmem>> -> memref<400x128xf32, #tpu.memory_space<vmem>>
      tpu.enqueue_dma source(%dma_start3A_246 : memref<400x128xf32, #tpu.memory_space<vmem>>) target(%dma_start3A_242 : memref<400x128xf32, #tpu.memory_space<hbm>>) target_semaphore(%arg14 : memref<!tpu.dma_semaphore, #tpu.memory_space<semaphore_mem>>)
      %add3A_247 = arith.constant 2 : i32
      %add3A_248 = arith.addi %add3A_221, %add3A_247 : i32
      %mul3A_249 = arith.constant 400 : i32
      %mul3A_250 = arith.muli %add3A_248, %mul3A_249 : i32
      %add3A_251 = arith.addi %multiple_of3A, %mul3A_250 : i32
      %multiple_of3A_252 = tpu.assume_multiple %add3A_251, 8 : i32
      %dma_start3A_253 = tpu.memref_slice %arg2[%multiple_of3A_252] : memref<819200xi32, #tpu.memory_space<hbm>> -> memref<400xi32, #tpu.memory_space<hbm>>
      %dma_start3A_254 = tpu.memref_slice %arg2[%multiple_of3A_252] : memref<819200xi32, #tpu.memory_space<hbm>> -> memref<400xi32, #tpu.memory_space<hbm>>
      tpu.enqueue_dma source(%dma_start3A_254 : memref<400xi32, #tpu.memory_space<hbm>>) target(%arg7 : memref<400xi32, #tpu.memory_space<vmem>>) target_semaphore(%arg10 : memref<!tpu.dma_semaphore, #tpu.memory_space<semaphore_mem>>)
      %dma_wait3A_255 = tpu.memref_slice %arg2[%multiple_of3A] : memref<819200xi32, #tpu.memory_space<hbm>> -> memref<400xi32, #tpu.memory_space<hbm>>
      %dma_wait3A_256 = tpu.memref_slice %arg2[%multiple_of3A] : memref<819200xi32, #tpu.memory_space<hbm>> -> memref<400xi32, #tpu.memory_space<hbm>>
      tpu.wait_dma2 semaphore(%arg9 : memref<!tpu.dma_semaphore, #tpu.memory_space<semaphore_mem>>) src(%dma_wait3A_256 : memref<400xi32, #tpu.memory_space<hbm>>) dst(%arg6 : memref<400xi32, #tpu.memory_space<vmem>>)
      %dma_wait3A_257 = arith.constant 0 : i32
      %dma_wait3A_258 = arith.constant 0 : i32
      %dma_wait3A_259 = arith.constant 0 : i32
      %dma_wait3A_260 = tpu.memref_slice %arg8[%dma_wait3A_257, %dma_wait3A_258, %dma_wait3A_259] : memref<2x400x128xf32, #tpu.memory_space<vmem>> -> memref<1x400x128xf32, #tpu.memory_space<vmem>>
      %dma_wait3A_261 = tpu.memref_squeeze %dma_wait3A_260 : memref<1x400x128xf32, #tpu.memory_space<vmem>> -> memref<400x128xf32, #tpu.memory_space<vmem>>
      %dma_wait3A_262 = arith.constant 0 : i32
      %dma_wait3A_263 = tpu.memref_slice %arg4[%multiple_of3A, %dma_wait3A_262] : memref<819200x128xf32, #tpu.memory_space<hbm>> -> memref<400x128xf32, #tpu.memory_space<hbm>>
      %dma_wait3A_264 = arith.constant 0 : i32
      %dma_wait3A_265 = tpu.memref_slice %arg4[%multiple_of3A, %dma_wait3A_264] : memref<819200x128xf32, #tpu.memory_space<hbm>> -> memref<400x128xf32, #tpu.memory_space<hbm>>
      %dma_wait3A_266 = arith.constant 0 : i32
      %dma_wait3A_267 = arith.constant 0 : i32
      %dma_wait3A_268 = tpu.memref_slice %arg8[%dma_wait3A_257, %dma_wait3A_266, %dma_wait3A_267] : memref<2x400x128xf32, #tpu.memory_space<vmem>> -> memref<1x400x128xf32, #tpu.memory_space<vmem>>
      %dma_wait3A_269 = tpu.memref_squeeze %dma_wait3A_268 : memref<1x400x128xf32, #tpu.memory_space<vmem>> -> memref<400x128xf32, #tpu.memory_space<vmem>>
      tpu.wait_dma2 semaphore(%arg13 : memref<!tpu.dma_semaphore, #tpu.memory_space<semaphore_mem>>) src(%dma_wait3A_269 : memref<400x128xf32, #tpu.memory_space<vmem>>) dst(%dma_wait3A_265 : memref<400x128xf32, #tpu.memory_space<hbm>>)
      %dma_start3A_270 = arith.constant 0 : i32
      %dma_start3A_271 = arith.constant 0 : i32
      %dma_start3A_272 = arith.constant 0 : i32
      %dma_start3A_273 = tpu.memref_slice %arg8[%dma_start3A_270, %dma_start3A_271, %dma_start3A_272] : memref<2x400x128xf32, #tpu.memory_space<vmem>> -> memref<1x400x128xf32, #tpu.memory_space<vmem>>
      %dma_start3A_274 = tpu.memref_squeeze %dma_start3A_273 : memref<1x400x128xf32, #tpu.memory_space<vmem>> -> memref<400x128xf32, #tpu.memory_space<vmem>>
      %dma_start3A_275 = arith.constant 0 : i32
      %dma_start3A_276 = arith.constant 0 : i32
      %dma_start3A_277 = tpu.memref_slice %arg5[%dma_start3A_275, %dma_start3A_276] : memref<1000x128xf32, #tpu.memory_space<vmem_shared>> -> memref<1000x128xf32, #tpu.memory_space<vmem_shared>>
      tpu.enqueue_indirect_dma source(%dma_start3A_277 : memref<1000x128xf32, #tpu.memory_space<vmem_shared>>) target(%dma_start3A_274 : memref<400x128xf32, #tpu.memory_space<vmem>>) offsets(%arg6 : memref<400xi32, #tpu.memory_space<vmem>>) semaphore(%arg11 : memref<!tpu.dma_semaphore, #tpu.memory_space<semaphore_mem>>)
      %mul3A_278 = arith.constant 2 : i32
      %mul3A_279 = arith.muli %mul3A_278, %scan3A_216 : i32
      %sub3A_280 = arith.constant 1 : i32
      %sub3A_281 = arith.subi %mul3A_279, %sub3A_280 : i32
      %add3A_282 = arith.constant 1 : i32
      %add3A_283 = arith.addi %sub3A_281, %add3A_282 : i32
      %dma_wait3A_284 = arith.constant 0 : i32
      %dma_wait3A_285 = arith.constant 0 : i32
      %dma_wait3A_286 = arith.constant 0 : i32
      %dma_wait3A_287 = tpu.memref_slice %arg8[%dma_wait3A_284, %dma_wait3A_285, %dma_wait3A_286] : memref<2x400x128xf32, #tpu.memory_space<vmem>> -> memref<1x400x128xf32, #tpu.memory_space<vmem>>
      %dma_wait3A_288 = tpu.memref_squeeze %dma_wait3A_287 : memref<1x400x128xf32, #tpu.memory_space<vmem>> -> memref<400x128xf32, #tpu.memory_space<vmem>>
      %dma_wait3A_289 = arith.constant 0 : i32
      %dma_wait3A_290 = arith.constant 0 : i32
      %dma_wait3A_291 = tpu.memref_slice %arg5[%dma_wait3A_289, %dma_wait3A_290] : memref<1000x128xf32, #tpu.memory_space<vmem_shared>> -> memref<1000x128xf32, #tpu.memory_space<vmem_shared>>
      tpu.wait_indirect_dma semaphore(%arg11 : memref<!tpu.dma_semaphore, #tpu.memory_space<semaphore_mem>>) src(%dma_wait3A_291 : memref<1000x128xf32, #tpu.memory_space<vmem_shared>>) dst(%dma_wait3A_288 : memref<400x128xf32, #tpu.memory_space<vmem>>)
      %mul3A_292 = arith.constant 400 : i32
      %mul3A_293 = arith.muli %add3A_283, %mul3A_292 : i32
      %add3A_294 = arith.addi %multiple_of3A, %mul3A_293 : i32
      %multiple_of3A_295 = tpu.assume_multiple %add3A_294, 8 : i32
      %dma_start3A_296 = arith.constant 0 : i32
      %dma_start3A_297 = arith.constant 0 : i32
      %dma_start3A_298 = arith.constant 0 : i32
      %dma_start3A_299 = tpu.memref_slice %arg8[%dma_start3A_296, %dma_start3A_297, %dma_start3A_298] : memref<2x400x128xf32, #tpu.memory_space<vmem>> -> memref<1x400x128xf32, #tpu.memory_space<vmem>>
      %dma_start3A_300 = tpu.memref_squeeze %dma_start3A_299 : memref<1x400x128xf32, #tpu.memory_space<vmem>> -> memref<400x128xf32, #tpu.memory_space<vmem>>
      %dma_start3A_301 = arith.constant 0 : i32
      %dma_start3A_302 = tpu.memref_slice %arg4[%multiple_of3A_295, %dma_start3A_301] : memref<819200x128xf32, #tpu.memory_space<hbm>> -> memref<400x128xf32, #tpu.memory_space<hbm>>
      %dma_start3A_303 = arith.constant 0 : i32
      %dma_start3A_304 = tpu.memref_slice %arg4[%multiple_of3A_295, %dma_start3A_303] : memref<819200x128xf32, #tpu.memory_space<hbm>> -> memref<400x128xf32, #tpu.memory_space<hbm>>
      %dma_start3A_305 = arith.constant 0 : i32
      %dma_start3A_306 = arith.constant 0 : i32
      %dma_start3A_307 = tpu.memref_slice %arg8[%dma_start3A_296, %dma_start3A_305, %dma_start3A_306] : memref<2x400x128xf32, #tpu.memory_space<vmem>> -> memref<1x400x128xf32, #tpu.memory_space<vmem>>
      %dma_start3A_308 = tpu.memref_squeeze %dma_start3A_307 : memref<1x400x128xf32, #tpu.memory_space<vmem>> -> memref<400x128xf32, #tpu.memory_space<vmem>>
      tpu.enqueue_dma source(%dma_start3A_308 : memref<400x128xf32, #tpu.memory_space<vmem>>) target(%dma_start3A_304 : memref<400x128xf32, #tpu.memory_space<hbm>>) target_semaphore(%arg13 : memref<!tpu.dma_semaphore, #tpu.memory_space<semaphore_mem>>)
      %add3A_309 = arith.constant 2 : i32
      %add3A_310 = arith.addi %add3A_283, %add3A_309 : i32
      %mul3A_311 = arith.constant 400 : i32
      %mul3A_312 = arith.muli %add3A_310, %mul3A_311 : i32
      %add3A_313 = arith.addi %multiple_of3A, %mul3A_312 : i32
      %multiple_of3A_314 = tpu.assume_multiple %add3A_313, 8 : i32
      %dma_start3A_315 = tpu.memref_slice %arg2[%multiple_of3A_314] : memref<819200xi32, #tpu.memory_space<hbm>> -> memref<400xi32, #tpu.memory_space<hbm>>
      %dma_start3A_316 = tpu.memref_slice %arg2[%multiple_of3A_314] : memref<819200xi32, #tpu.memory_space<hbm>> -> memref<400xi32, #tpu.memory_space<hbm>>
      tpu.enqueue_dma source(%dma_start3A_316 : memref<400xi32, #tpu.memory_space<hbm>>) target(%arg6 : memref<400xi32, #tpu.memory_space<vmem>>) target_semaphore(%arg9 : memref<!tpu.dma_semaphore, #tpu.memory_space<semaphore_mem>>)
      %dma_wait3A_317 = tpu.memref_slice %arg2[%multiple_of3A] : memref<819200xi32, #tpu.memory_space<hbm>> -> memref<400xi32, #tpu.memory_space<hbm>>
      %dma_wait3A_318 = tpu.memref_slice %arg2[%multiple_of3A] : memref<819200xi32, #tpu.memory_space<hbm>> -> memref<400xi32, #tpu.memory_space<hbm>>
      tpu.wait_dma2 semaphore(%arg10 : memref<!tpu.dma_semaphore, #tpu.memory_space<semaphore_mem>>) src(%dma_wait3A_318 : memref<400xi32, #tpu.memory_space<hbm>>) dst(%arg7 : memref<400xi32, #tpu.memory_space<vmem>>)
      %dma_wait3A_319 = arith.constant 1 : i32
      %dma_wait3A_320 = arith.constant 0 : i32
      %dma_wait3A_321 = arith.constant 0 : i32
      %dma_wait3A_322 = tpu.memref_slice %arg8[%dma_wait3A_319, %dma_wait3A_320, %dma_wait3A_321] : memref<2x400x128xf32, #tpu.memory_space<vmem>> -> memref<1x400x128xf32, #tpu.memory_space<vmem>>
      %dma_wait3A_323 = tpu.memref_squeeze %dma_wait3A_322 : memref<1x400x128xf32, #tpu.memory_space<vmem>> -> memref<400x128xf32, #tpu.memory_space<vmem>>
      %dma_wait3A_324 = arith.constant 0 : i32
      %dma_wait3A_325 = tpu.memref_slice %arg4[%multiple_of3A, %dma_wait3A_324] : memref<819200x128xf32, #tpu.memory_space<hbm>> -> memref<400x128xf32, #tpu.memory_space<hbm>>
      %dma_wait3A_326 = arith.constant 0 : i32
      %dma_wait3A_327 = tpu.memref_slice %arg4[%multiple_of3A, %dma_wait3A_326] : memref<819200x128xf32, #tpu.memory_space<hbm>> -> memref<400x128xf32, #tpu.memory_space<hbm>>
      %dma_wait3A_328 = arith.constant 0 : i32
      %dma_wait3A_329 = arith.constant 0 : i32
      %dma_wait3A_330 = tpu.memref_slice %arg8[%dma_wait3A_319, %dma_wait3A_328, %dma_wait3A_329] : memref<2x400x128xf32, #tpu.memory_space<vmem>> -> memref<1x400x128xf32, #tpu.memory_space<vmem>>
      %dma_wait3A_331 = tpu.memref_squeeze %dma_wait3A_330 : memref<1x400x128xf32, #tpu.memory_space<vmem>> -> memref<400x128xf32, #tpu.memory_space<vmem>>
      tpu.wait_dma2 semaphore(%arg14 : memref<!tpu.dma_semaphore, #tpu.memory_space<semaphore_mem>>) src(%dma_wait3A_331 : memref<400x128xf32, #tpu.memory_space<vmem>>) dst(%dma_wait3A_327 : memref<400x128xf32, #tpu.memory_space<hbm>>)
      %dma_start3A_332 = arith.constant 1 : i32
      %dma_start3A_333 = arith.constant 0 : i32
      %dma_start3A_334 = arith.constant 0 : i32
      %dma_start3A_335 = tpu.memref_slice %arg8[%dma_start3A_332, %dma_start3A_333, %dma_start3A_334] : memref<2x400x128xf32, #tpu.memory_space<vmem>> -> memref<1x400x128xf32, #tpu.memory_space<vmem>>
      %dma_start3A_336 = tpu.memref_squeeze %dma_start3A_335 : memref<1x400x128xf32, #tpu.memory_space<vmem>> -> memref<400x128xf32, #tpu.memory_space<vmem>>
      %dma_start3A_337 = arith.constant 0 : i32
      %dma_start3A_338 = arith.constant 0 : i32
      %dma_start3A_339 = tpu.memref_slice %arg5[%dma_start3A_337, %dma_start3A_338] : memref<1000x128xf32, #tpu.memory_space<vmem_shared>> -> memref<1000x128xf32, #tpu.memory_space<vmem_shared>>
      tpu.enqueue_indirect_dma source(%dma_start3A_339 : memref<1000x128xf32, #tpu.memory_space<vmem_shared>>) target(%dma_start3A_336 : memref<400x128xf32, #tpu.memory_space<vmem>>) offsets(%arg7 : memref<400xi32, #tpu.memory_space<vmem>>) semaphore(%arg12 : memref<!tpu.dma_semaphore, #tpu.memory_space<semaphore_mem>>)
    }
    %scan3A_66 = arith.constant 30 : i32
    %dma_wait3A_67 = arith.constant 1 : i32
    %dma_wait3A_68 = arith.constant 0 : i32
    %dma_wait3A_69 = arith.constant 0 : i32
    %dma_wait3A_70 = tpu.memref_slice %arg8[%dma_wait3A_67, %dma_wait3A_68, %dma_wait3A_69] : memref<2x400x128xf32, #tpu.memory_space<vmem>> -> memref<1x400x128xf32, #tpu.memory_space<vmem>>
    %dma_wait3A_71 = tpu.memref_squeeze %dma_wait3A_70 : memref<1x400x128xf32, #tpu.memory_space<vmem>> -> memref<400x128xf32, #tpu.memory_space<vmem>>
    %dma_wait3A_72 = arith.constant 0 : i32
    %dma_wait3A_73 = arith.constant 0 : i32
    %dma_wait3A_74 = tpu.memref_slice %arg5[%dma_wait3A_72, %dma_wait3A_73] : memref<1000x128xf32, #tpu.memory_space<vmem_shared>> -> memref<1000x128xf32, #tpu.memory_space<vmem_shared>>
    tpu.wait_indirect_dma semaphore(%arg12 : memref<!tpu.dma_semaphore, #tpu.memory_space<semaphore_mem>>) src(%dma_wait3A_74 : memref<1000x128xf32, #tpu.memory_space<vmem_shared>>) dst(%dma_wait3A_71 : memref<400x128xf32, #tpu.memory_space<vmem>>)
    %add3A_75 = arith.constant 24400 : i32
    %add3A_76 = arith.addi %multiple_of3A, %add3A_75 : i32
    %multiple_of3A_77 = tpu.assume_multiple %add3A_76, 8 : i32
    %dma_start3A_78 = arith.constant 1 : i32
    %dma_start3A_79 = arith.constant 0 : i32
    %dma_start3A_80 = arith.constant 0 : i32
    %dma_start3A_81 = tpu.memref_slice %arg8[%dma_start3A_78, %dma_start3A_79, %dma_start3A_80] : memref<2x400x128xf32, #tpu.memory_space<vmem>> -> memref<1x400x128xf32, #tpu.memory_space<vmem>>
    %dma_start3A_82 = tpu.memref_squeeze %dma_start3A_81 : memref<1x400x128xf32, #tpu.memory_space<vmem>> -> memref<400x128xf32, #tpu.memory_space<vmem>>
    %dma_start3A_83 = arith.constant 0 : i32
    %dma_start3A_84 = tpu.memref_slice %arg4[%multiple_of3A_77, %dma_start3A_83] : memref<819200x128xf32, #tpu.memory_space<hbm>> -> memref<400x128xf32, #tpu.memory_space<hbm>>
    %dma_start3A_85 = arith.constant 0 : i32
    %dma_start3A_86 = tpu.memref_slice %arg4[%multiple_of3A_77, %dma_start3A_85] : memref<819200x128xf32, #tpu.memory_space<hbm>> -> memref<400x128xf32, #tpu.memory_space<hbm>>
    %dma_start3A_87 = arith.constant 0 : i32
    %dma_start3A_88 = arith.constant 0 : i32
    %dma_start3A_89 = tpu.memref_slice %arg8[%dma_start3A_78, %dma_start3A_87, %dma_start3A_88] : memref<2x400x128xf32, #tpu.memory_space<vmem>> -> memref<1x400x128xf32, #tpu.memory_space<vmem>>
    %dma_start3A_90 = tpu.memref_squeeze %dma_start3A_89 : memref<1x400x128xf32, #tpu.memory_space<vmem>> -> memref<400x128xf32, #tpu.memory_space<vmem>>
    tpu.enqueue_dma source(%dma_start3A_90 : memref<400x128xf32, #tpu.memory_space<vmem>>) target(%dma_start3A_86 : memref<400x128xf32, #tpu.memory_space<hbm>>) target_semaphore(%arg14 : memref<!tpu.dma_semaphore, #tpu.memory_space<semaphore_mem>>)
    %add3A_91 = arith.constant 25200 : i32
    %add3A_92 = arith.addi %multiple_of3A, %add3A_91 : i32
    %multiple_of3A_93 = tpu.assume_multiple %add3A_92, 8 : i32
    %dma_start3A_94 = tpu.memref_slice %arg2[%multiple_of3A_93] : memref<819200xi32, #tpu.memory_space<hbm>> -> memref<400xi32, #tpu.memory_space<hbm>>
    %dma_start3A_95 = tpu.memref_slice %arg2[%multiple_of3A_93] : memref<819200xi32, #tpu.memory_space<hbm>> -> memref<400xi32, #tpu.memory_space<hbm>>
    tpu.enqueue_dma source(%dma_start3A_95 : memref<400xi32, #tpu.memory_space<hbm>>) target(%arg7 : memref<400xi32, #tpu.memory_space<vmem>>) target_semaphore(%arg10 : memref<!tpu.dma_semaphore, #tpu.memory_space<semaphore_mem>>)
    %dma_wait3A_96 = tpu.memref_slice %arg2[%multiple_of3A] : memref<819200xi32, #tpu.memory_space<hbm>> -> memref<400xi32, #tpu.memory_space<hbm>>
    %dma_wait3A_97 = tpu.memref_slice %arg2[%multiple_of3A] : memref<819200xi32, #tpu.memory_space<hbm>> -> memref<400xi32, #tpu.memory_space<hbm>>
    tpu.wait_dma2 semaphore(%arg9 : memref<!tpu.dma_semaphore, #tpu.memory_space<semaphore_mem>>) src(%dma_wait3A_97 : memref<400xi32, #tpu.memory_space<hbm>>) dst(%arg6 : memref<400xi32, #tpu.memory_space<vmem>>)
    %dma_wait3A_98 = arith.constant 0 : i32
    %dma_wait3A_99 = arith.constant 0 : i32
    %dma_wait3A_100 = arith.constant 0 : i32
    %dma_wait3A_101 = tpu.memref_slice %arg8[%dma_wait3A_98, %dma_wait3A_99, %dma_wait3A_100] : memref<2x400x128xf32, #tpu.memory_space<vmem>> -> memref<1x400x128xf32, #tpu.memory_space<vmem>>
    %dma_wait3A_102 = tpu.memref_squeeze %dma_wait3A_101 : memref<1x400x128xf32, #tpu.memory_space<vmem>> -> memref<400x128xf32, #tpu.memory_space<vmem>>
    %dma_wait3A_103 = arith.constant 0 : i32
    %dma_wait3A_104 = tpu.memref_slice %arg4[%multiple_of3A, %dma_wait3A_103] : memref<819200x128xf32, #tpu.memory_space<hbm>> -> memref<400x128xf32, #tpu.memory_space<hbm>>
    %dma_wait3A_105 = arith.constant 0 : i32
    %dma_wait3A_106 = tpu.memref_slice %arg4[%multiple_of3A, %dma_wait3A_105] : memref<819200x128xf32, #tpu.memory_space<hbm>> -> memref<400x128xf32, #tpu.memory_space<hbm>>
    %dma_wait3A_107 = arith.constant 0 : i32
    %dma_wait3A_108 = arith.constant 0 : i32
    %dma_wait3A_109 = tpu.memref_slice %arg8[%dma_wait3A_98, %dma_wait3A_107, %dma_wait3A_108] : memref<2x400x128xf32, #tpu.memory_space<vmem>> -> memref<1x400x128xf32, #tpu.memory_space<vmem>>
    %dma_wait3A_110 = tpu.memref_squeeze %dma_wait3A_109 : memref<1x400x128xf32, #tpu.memory_space<vmem>> -> memref<400x128xf32, #tpu.memory_space<vmem>>
    tpu.wait_dma2 semaphore(%arg13 : memref<!tpu.dma_semaphore, #tpu.memory_space<semaphore_mem>>) src(%dma_wait3A_110 : memref<400x128xf32, #tpu.memory_space<vmem>>) dst(%dma_wait3A_106 : memref<400x128xf32, #tpu.memory_space<hbm>>)
    %dma_start3A_111 = arith.constant 0 : i32
    %dma_start3A_112 = arith.constant 0 : i32
    %dma_start3A_113 = arith.constant 0 : i32
    %dma_start3A_114 = tpu.memref_slice %arg8[%dma_start3A_111, %dma_start3A_112, %dma_start3A_113] : memref<2x400x128xf32, #tpu.memory_space<vmem>> -> memref<1x400x128xf32, #tpu.memory_space<vmem>>
    %dma_start3A_115 = tpu.memref_squeeze %dma_start3A_114 : memref<1x400x128xf32, #tpu.memory_space<vmem>> -> memref<400x128xf32, #tpu.memory_space<vmem>>
    %dma_start3A_116 = arith.constant 0 : i32
    %dma_start3A_117 = arith.constant 0 : i32
    %dma_start3A_118 = tpu.memref_slice %arg5[%dma_start3A_116, %dma_start3A_117] : memref<1000x128xf32, #tpu.memory_space<vmem_shared>> -> memref<1000x128xf32, #tpu.memory_space<vmem_shared>>
    tpu.enqueue_indirect_dma source(%dma_start3A_118 : memref<1000x128xf32, #tpu.memory_space<vmem_shared>>) target(%dma_start3A_115 : memref<400x128xf32, #tpu.memory_space<vmem>>) offsets(%arg6 : memref<400xi32, #tpu.memory_space<vmem>>) semaphore(%arg11 : memref<!tpu.dma_semaphore, #tpu.memory_space<semaphore_mem>>)
    %dma_wait3A_119 = arith.constant 0 : i32
    %dma_wait3A_120 = arith.constant 0 : i32
    %dma_wait3A_121 = arith.constant 0 : i32
    %dma_wait3A_122 = tpu.memref_slice %arg8[%dma_wait3A_119, %dma_wait3A_120, %dma_wait3A_121] : memref<2x400x128xf32, #tpu.memory_space<vmem>> -> memref<1x400x128xf32, #tpu.memory_space<vmem>>
    %dma_wait3A_123 = tpu.memref_squeeze %dma_wait3A_122 : memref<1x400x128xf32, #tpu.memory_space<vmem>> -> memref<400x128xf32, #tpu.memory_space<vmem>>
    %dma_wait3A_124 = arith.constant 0 : i32
    %dma_wait3A_125 = arith.constant 0 : i32
    %dma_wait3A_126 = tpu.memref_slice %arg5[%dma_wait3A_124, %dma_wait3A_125] : memref<1000x128xf32, #tpu.memory_space<vmem_shared>> -> memref<1000x128xf32, #tpu.memory_space<vmem_shared>>
    tpu.wait_indirect_dma semaphore(%arg11 : memref<!tpu.dma_semaphore, #tpu.memory_space<semaphore_mem>>) src(%dma_wait3A_126 : memref<1000x128xf32, #tpu.memory_space<vmem_shared>>) dst(%dma_wait3A_123 : memref<400x128xf32, #tpu.memory_space<vmem>>)
    %add3A_127 = arith.constant 24800 : i32
    %add3A_128 = arith.addi %multiple_of3A, %add3A_127 : i32
    %multiple_of3A_129 = tpu.assume_multiple %add3A_128, 8 : i32
    %dma_start3A_130 = arith.constant 0 : i32
    %dma_start3A_131 = arith.constant 0 : i32
    %dma_start3A_132 = arith.constant 0 : i32
    %dma_start3A_133 = tpu.memref_slice %arg8[%dma_start3A_130, %dma_start3A_131, %dma_start3A_132] : memref<2x400x128xf32, #tpu.memory_space<vmem>> -> memref<1x400x128xf32, #tpu.memory_space<vmem>>
    %dma_start3A_134 = tpu.memref_squeeze %dma_start3A_133 : memref<1x400x128xf32, #tpu.memory_space<vmem>> -> memref<400x128xf32, #tpu.memory_space<vmem>>
    %dma_start3A_135 = arith.constant 0 : i32
    %dma_start3A_136 = tpu.memref_slice %arg4[%multiple_of3A_129, %dma_start3A_135] : memref<819200x128xf32, #tpu.memory_space<hbm>> -> memref<400x128xf32, #tpu.memory_space<hbm>>
    %dma_start3A_137 = arith.constant 0 : i32
    %dma_start3A_138 = tpu.memref_slice %arg4[%multiple_of3A_129, %dma_start3A_137] : memref<819200x128xf32, #tpu.memory_space<hbm>> -> memref<400x128xf32, #tpu.memory_space<hbm>>
    %dma_start3A_139 = arith.constant 0 : i32
    %dma_start3A_140 = arith.constant 0 : i32
    %dma_start3A_141 = tpu.memref_slice %arg8[%dma_start3A_130, %dma_start3A_139, %dma_start3A_140] : memref<2x400x128xf32, #tpu.memory_space<vmem>> -> memref<1x400x128xf32, #tpu.memory_space<vmem>>
    %dma_start3A_142 = tpu.memref_squeeze %dma_start3A_141 : memref<1x400x128xf32, #tpu.memory_space<vmem>> -> memref<400x128xf32, #tpu.memory_space<vmem>>
    tpu.enqueue_dma source(%dma_start3A_142 : memref<400x128xf32, #tpu.memory_space<vmem>>) target(%dma_start3A_138 : memref<400x128xf32, #tpu.memory_space<hbm>>) target_semaphore(%arg13 : memref<!tpu.dma_semaphore, #tpu.memory_space<semaphore_mem>>)
    %dma_wait3A_143 = tpu.memref_slice %arg2[%multiple_of3A] : memref<819200xi32, #tpu.memory_space<hbm>> -> memref<400xi32, #tpu.memory_space<hbm>>
    %dma_wait3A_144 = tpu.memref_slice %arg2[%multiple_of3A] : memref<819200xi32, #tpu.memory_space<hbm>> -> memref<400xi32, #tpu.memory_space<hbm>>
    tpu.wait_dma2 semaphore(%arg10 : memref<!tpu.dma_semaphore, #tpu.memory_space<semaphore_mem>>) src(%dma_wait3A_144 : memref<400xi32, #tpu.memory_space<hbm>>) dst(%arg7 : memref<400xi32, #tpu.memory_space<vmem>>)
    %dma_wait3A_145 = arith.constant 1 : i32
    %dma_wait3A_146 = arith.constant 0 : i32
    %dma_wait3A_147 = arith.constant 0 : i32
    %dma_wait3A_148 = tpu.memref_slice %arg8[%dma_wait3A_145, %dma_wait3A_146, %dma_wait3A_147] : memref<2x400x128xf32, #tpu.memory_space<vmem>> -> memref<1x400x128xf32, #tpu.memory_space<vmem>>
    %dma_wait3A_149 = tpu.memref_squeeze %dma_wait3A_148 : memref<1x400x128xf32, #tpu.memory_space<vmem>> -> memref<400x128xf32, #tpu.memory_space<vmem>>
    %dma_wait3A_150 = arith.constant 0 : i32
    %dma_wait3A_151 = tpu.memref_slice %arg4[%multiple_of3A, %dma_wait3A_150] : memref<819200x128xf32, #tpu.memory_space<hbm>> -> memref<400x128xf32, #tpu.memory_space<hbm>>
    %dma_wait3A_152 = arith.constant 0 : i32
    %dma_wait3A_153 = tpu.memref_slice %arg4[%multiple_of3A, %dma_wait3A_152] : memref<819200x128xf32, #tpu.memory_space<hbm>> -> memref<400x128xf32, #tpu.memory_space<hbm>>
    %dma_wait3A_154 = arith.constant 0 : i32
    %dma_wait3A_155 = arith.constant 0 : i32
    %dma_wait3A_156 = tpu.memref_slice %arg8[%dma_wait3A_145, %dma_wait3A_154, %dma_wait3A_155] : memref<2x400x128xf32, #tpu.memory_space<vmem>> -> memref<1x400x128xf32, #tpu.memory_space<vmem>>
    %dma_wait3A_157 = tpu.memref_squeeze %dma_wait3A_156 : memref<1x400x128xf32, #tpu.memory_space<vmem>> -> memref<400x128xf32, #tpu.memory_space<vmem>>
    tpu.wait_dma2 semaphore(%arg14 : memref<!tpu.dma_semaphore, #tpu.memory_space<semaphore_mem>>) src(%dma_wait3A_157 : memref<400x128xf32, #tpu.memory_space<vmem>>) dst(%dma_wait3A_153 : memref<400x128xf32, #tpu.memory_space<hbm>>)
    %dma_start3A_158 = arith.constant 1 : i32
    %dma_start3A_159 = arith.constant 0 : i32
    %dma_start3A_160 = arith.constant 0 : i32
    %dma_start3A_161 = tpu.memref_slice %arg8[%dma_start3A_158, %dma_start3A_159, %dma_start3A_160] : memref<2x400x128xf32, #tpu.memory_space<vmem>> -> memref<1x400x128xf32, #tpu.memory_space<vmem>>
    %dma_start3A_162 = tpu.memref_squeeze %dma_start3A_161 : memref<1x400x128xf32, #tpu.memory_space<vmem>> -> memref<400x128xf32, #tpu.memory_space<vmem>>
    %dma_start3A_163 = arith.constant 0 : i32
    %dma_start3A_164 = arith.constant 0 : i32
    %dma_start3A_165 = tpu.memref_slice %arg5[%dma_start3A_163, %dma_start3A_164] : memref<1000x128xf32, #tpu.memory_space<vmem_shared>> -> memref<1000x128xf32, #tpu.memory_space<vmem_shared>>
    tpu.enqueue_indirect_dma source(%dma_start3A_165 : memref<1000x128xf32, #tpu.memory_space<vmem_shared>>) target(%dma_start3A_162 : memref<400x128xf32, #tpu.memory_space<vmem>>) offsets(%arg7 : memref<400xi32, #tpu.memory_space<vmem>>) semaphore(%arg12 : memref<!tpu.dma_semaphore, #tpu.memory_space<semaphore_mem>>)
    %dma_wait3A_166 = arith.constant 1 : i32
    %dma_wait3A_167 = arith.constant 0 : i32
    %dma_wait3A_168 = arith.constant 0 : i32
    %dma_wait3A_169 = tpu.memref_slice %arg8[%dma_wait3A_166, %dma_wait3A_167, %dma_wait3A_168] : memref<2x400x128xf32, #tpu.memory_space<vmem>> -> memref<1x400x128xf32, #tpu.memory_space<vmem>>
    %dma_wait3A_170 = tpu.memref_squeeze %dma_wait3A_169 : memref<1x400x128xf32, #tpu.memory_space<vmem>> -> memref<400x128xf32, #tpu.memory_space<vmem>>
    %dma_wait3A_171 = arith.constant 0 : i32
    %dma_wait3A_172 = arith.constant 0 : i32
    %dma_wait3A_173 = tpu.memref_slice %arg5[%dma_wait3A_171, %dma_wait3A_172] : memref<1000x128xf32, #tpu.memory_space<vmem_shared>> -> memref<1000x128xf32, #tpu.memory_space<vmem_shared>>
    tpu.wait_indirect_dma semaphore(%arg12 : memref<!tpu.dma_semaphore, #tpu.memory_space<semaphore_mem>>) src(%dma_wait3A_173 : memref<1000x128xf32, #tpu.memory_space<vmem_shared>>) dst(%dma_wait3A_170 : memref<400x128xf32, #tpu.memory_space<vmem>>)
    %add3A_174 = arith.constant 25200 : i32
    %add3A_175 = arith.addi %multiple_of3A, %add3A_174 : i32
    %multiple_of3A_176 = tpu.assume_multiple %add3A_175, 8 : i32
    %dma_start3A_177 = arith.constant 1 : i32
    %dma_start3A_178 = arith.constant 0 : i32
    %dma_start3A_179 = arith.constant 0 : i32
    %dma_start3A_180 = tpu.memref_slice %arg8[%dma_start3A_177, %dma_start3A_178, %dma_start3A_179] : memref<2x400x128xf32, #tpu.memory_space<vmem>> -> memref<1x400x128xf32, #tpu.memory_space<vmem>>
    %dma_start3A_181 = tpu.memref_squeeze %dma_start3A_180 : memref<1x400x128xf32, #tpu.memory_space<vmem>> -> memref<400x128xf32, #tpu.memory_space<vmem>>
    %dma_start3A_182 = arith.constant 0 : i32
    %dma_start3A_183 = tpu.memref_slice %arg4[%multiple_of3A_176, %dma_start3A_182] : memref<819200x128xf32, #tpu.memory_space<hbm>> -> memref<400x128xf32, #tpu.memory_space<hbm>>
    %dma_start3A_184 = arith.constant 0 : i32
    %dma_start3A_185 = tpu.memref_slice %arg4[%multiple_of3A_176, %dma_start3A_184] : memref<819200x128xf32, #tpu.memory_space<hbm>> -> memref<400x128xf32, #tpu.memory_space<hbm>>
    %dma_start3A_186 = arith.constant 0 : i32
    %dma_start3A_187 = arith.constant 0 : i32
    %dma_start3A_188 = tpu.memref_slice %arg8[%dma_start3A_177, %dma_start3A_186, %dma_start3A_187] : memref<2x400x128xf32, #tpu.memory_space<vmem>> -> memref<1x400x128xf32, #tpu.memory_space<vmem>>
    %dma_start3A_189 = tpu.memref_squeeze %dma_start3A_188 : memref<1x400x128xf32, #tpu.memory_space<vmem>> -> memref<400x128xf32, #tpu.memory_space<vmem>>
    tpu.enqueue_dma source(%dma_start3A_189 : memref<400x128xf32, #tpu.memory_space<vmem>>) target(%dma_start3A_185 : memref<400x128xf32, #tpu.memory_space<hbm>>) target_semaphore(%arg14 : memref<!tpu.dma_semaphore, #tpu.memory_space<semaphore_mem>>)
    %dma_wait3A_190 = arith.constant 0 : i32
    %dma_wait3A_191 = arith.constant 0 : i32
    %dma_wait3A_192 = arith.constant 0 : i32
    %dma_wait3A_193 = tpu.memref_slice %arg8[%dma_wait3A_190, %dma_wait3A_191, %dma_wait3A_192] : memref<2x400x128xf32, #tpu.memory_space<vmem>> -> memref<1x400x128xf32, #tpu.memory_space<vmem>>
    %dma_wait3A_194 = tpu.memref_squeeze %dma_wait3A_193 : memref<1x400x128xf32, #tpu.memory_space<vmem>> -> memref<400x128xf32, #tpu.memory_space<vmem>>
    %dma_wait3A_195 = arith.constant 0 : i32
    %dma_wait3A_196 = tpu.memref_slice %arg4[%multiple_of3A, %dma_wait3A_195] : memref<819200x128xf32, #tpu.memory_space<hbm>> -> memref<400x128xf32, #tpu.memory_space<hbm>>
    %dma_wait3A_197 = arith.constant 0 : i32
    %dma_wait3A_198 = tpu.memref_slice %arg4[%multiple_of3A, %dma_wait3A_197] : memref<819200x128xf32, #tpu.memory_space<hbm>> -> memref<400x128xf32, #tpu.memory_space<hbm>>
    %dma_wait3A_199 = arith.constant 0 : i32
    %dma_wait3A_200 = arith.constant 0 : i32
    %dma_wait3A_201 = tpu.memref_slice %arg8[%dma_wait3A_190, %dma_wait3A_199, %dma_wait3A_200] : memref<2x400x128xf32, #tpu.memory_space<vmem>> -> memref<1x400x128xf32, #tpu.memory_space<vmem>>
    %dma_wait3A_202 = tpu.memref_squeeze %dma_wait3A_201 : memref<1x400x128xf32, #tpu.memory_space<vmem>> -> memref<400x128xf32, #tpu.memory_space<vmem>>
    tpu.wait_dma2 semaphore(%arg13 : memref<!tpu.dma_semaphore, #tpu.memory_space<semaphore_mem>>) src(%dma_wait3A_202 : memref<400x128xf32, #tpu.memory_space<vmem>>) dst(%dma_wait3A_198 : memref<400x128xf32, #tpu.memory_space<hbm>>)
    %dma_wait3A_203 = arith.constant 1 : i32
    %dma_wait3A_204 = arith.constant 0 : i32
    %dma_wait3A_205 = arith.constant 0 : i32
    %dma_wait3A_206 = tpu.memref_slice %arg8[%dma_wait3A_203, %dma_wait3A_204, %dma_wait3A_205] : memref<2x400x128xf32, #tpu.memory_space<vmem>> -> memref<1x400x128xf32, #tpu.memory_space<vmem>>
    %dma_wait3A_207 = tpu.memref_squeeze %dma_wait3A_206 : memref<1x400x128xf32, #tpu.memory_space<vmem>> -> memref<400x128xf32, #tpu.memory_space<vmem>>
    %dma_wait3A_208 = arith.constant 0 : i32
    %dma_wait3A_209 = tpu.memref_slice %arg4[%multiple_of3A, %dma_wait3A_208] : memref<819200x128xf32, #tpu.memory_space<hbm>> -> memref<400x128xf32, #tpu.memory_space<hbm>>
    %dma_wait3A_210 = arith.constant 0 : i32
    %dma_wait3A_211 = tpu.memref_slice %arg4[%multiple_of3A, %dma_wait3A_210] : memref<819200x128xf32, #tpu.memory_space<hbm>> -> memref<400x128xf32, #tpu.memory_space<hbm>>
    %dma_wait3A_212 = arith.constant 0 : i32
    %dma_wait3A_213 = arith.constant 0 : i32
    %dma_wait3A_214 = tpu.memref_slice %arg8[%dma_wait3A_203, %dma_wait3A_212, %dma_wait3A_213] : memref<2x400x128xf32, #tpu.memory_space<vmem>> -> memref<1x400x128xf32, #tpu.memory_space<vmem>>
    %dma_wait3A_215 = tpu.memref_squeeze %dma_wait3A_214 : memref<1x400x128xf32, #tpu.memory_space<vmem>> -> memref<400x128xf32, #tpu.memory_space<vmem>>
    tpu.wait_dma2 semaphore(%arg14 : memref<!tpu.dma_semaphore, #tpu.memory_space<semaphore_mem>>) src(%dma_wait3A_215 : memref<400x128xf32, #tpu.memory_space<vmem>>) dst(%dma_wait3A_211 : memref<400x128xf32, #tpu.memory_space<hbm>>)
    return
  }
}

</mosaic_0001>

<sc_bundles>
// kernel: kernel.3.cloned.1.call-start
scs
__scs_entry_jumppad:
0x0: {  	(pc) =	sbr.rel $0x88, $3  }
0x1: {  	(tag) =	ssettag $0x0;
	lr =	simm.s32 $0x1  }
0x2: {  	[smem:$0x3F9F] =	sst lr;
	_ =	strace $0xD0000000  }
0x3: {  	_ = 	snop  }
0x4: {  	_ = 	snop  }
0x5: {  	_ = 	snop  }
0x6: {  	_ = 	snop  }
0x7: {  	_ = 	snop  }
__scs_overlays_trampoline_lowered:
0x8: {  	[smem:$0x3FAE] =	sst s0  }
0x9: {  	[smem:$0x3FAF] =	sst s1  }
0xa: {  	[smem:$0x3FB0] =	sst s2  }
0xb: {  	[smem:$0x3FB1] =	sst s3  }
0xc: {  	[smem:$0x3FB2] =	sst s4  }
0xd: {  	[smem:$0x3FB3] =	sst s5  }
0xe: {  	[smem:$0x3FB4] =	sst s6  }
0xf: {  	[smem:$0x3FB5] =	sst s7  }
0x10: {  	[smem:$0x3FB6] =	sst s8  }
0x11: {  	[smem:$0x3FB7] =	sst s9;
	s0 =	simm.s32 @!p0 $0x0  }
0x12: {  	s1 =	sld [smem:$0x3F9D];
	s0 =	simm.s32 @p0 $0x1  }
0x13: {  	[smem:$0x3FB8] =	sst s0;
	s0 =	simm.s32 @!p1 $0x0  }
0x14: {  	s2 =	sld [smem:$0x3F9C];
	s0 =	simm.s32 @p1 $0x1  }
0x15: {  	[smem:$0x3FB9] =	sst s0;
	s0 =	simm.s32 @!p2 $0x0  }
0x16: {  	s3 =	sld [smem:$0x3FDB];
	s0 =	simm.s32 @p2 $0x1  }
0x17: {  	s4 =	simm.s32 $0x1BF5;
	[smem:$0x3FBB] =	sst s0  }
0x18: {  	s0 =	sld [smem:$0x3F9E];
	_ =	swait.ge [sflag:s4], $0x0  }
0x19: {  	s7 =	sld [smem:$0x3F9F]  }
0x1a: {  	s8 =	sadd.s32 $0xFFFFE003, lr  }
0x1b: {  	s9 =	sadd.s32 $0xFFFFFEF7, lr;
	s5 =	simm.s32 $0xFFFFFFFF;
	p2 =	slt.u32 s8, $0xFFFFF086  }
0x1c: {  	p1 =	slt.u32 s9, $0xF7A;
	s5 =	simm.s32 @!p2 $0x0  }
0x1d: {  	s5 =	simm.s32 @p1 $0x1;
	p0 =	seq.s32 s7, s2  }
0x1e: {  	s7 =	smul.u32 @!p0 $0xF7A, s2;
	p2 =	seq.s32 @!p0 s5, $0x0  }
0x1f: {  	s9 =	smul.u32 $0xF7A, s1;
	s8 =	simm.s32 @!p0 $0x1BF5;
	p2 =	por !p2, p0  }
0x20: {  	[sflag:s8] =	ssyncset.s32 @!p0 $0xFFFFF086;
	s6 =	sadd.s32 @!p0 s3, s7;
	s7 =	simm.s32 @!p0 $0x108  }
0x21: {  	s3 =	sadd.s32 s3, s9;
	s6 =	sadd.s32 @!p0 $0x88, s6;
	s7 =	simm.s32 @p2 $0x1082  }
0x22: {  	[simem:s7], [sflag:s8] =	dma.local @!p0 [hbm:s6], $0xF7A  }
0x23: {  	s9 =	sor.u32 $0xD0000000, s2;
	s6 =	simm.s32 $0x108;
	_ =	swait.ge @!p0 [sflag:s8], $0x0  }
0x24: {  	s3 =	sadd.s32 $0x88, s3;
	s6 =	simm.s32 @!p1 $0x1082;
	[sflag:s4] =	ssyncset.s32 $0xFFFFF086  }
0x25: {  	[simem:s6], [sflag:s4] =	dma.local [hbm:s3], $0xF7A  }
0x26: {  	[smem:$0x3F9F] =	sst s1;
	(tag) =	ssettag s2;
	_ =	strace s9  }
0x27: {  	s1 =	sld [smem:$0x3FAF]  }
0x28: {  	s2 =	sld [smem:$0x3FB0]  }
0x29: {  	s4 =	sld [smem:$0x3FB2]  }
0x2a: {  	p0 =	seq.s32 s5, $0x0;
	s5 =	sld [smem:$0x3FB3]  }
0x2b: {  	s6 =	sld [smem:$0x3FB4]  }
0x2c: {  	s7 =	sld [smem:$0x3FB5]  }
0x2d: {  	s3 =	simm.s32 $0x108;
	s8 =	sld [smem:$0x3FB6]  }
0x2e: {  	s3 =	simm.s32 @!p0 $0x1082;
	s9 =	sld [smem:$0x3FB7]  }
0x2f: {  	lr =	sadd.s32 s0, s3;
	s0 =	sld [smem:$0x3FAE]  }
0x30: {  	s3 =	sld [smem:$0x3FB1]  }
0x31: {  	[smem:$0x3FBA] =	sst s10  }
0x32: {  	s10 =	sld [smem:$0x3FB8];
	_ =	sdelay $0x3  }
0x33: {  	p0 =	seq.s32 s10, $0x1;
	s10 =	sld [smem:$0x3FBA];
	_ =	sdelay $0x3  }
0x34: {  	[smem:$0x3FBA] =	sst s10  }
0x35: {  	s10 =	sld [smem:$0x3FB9];
	_ =	sdelay $0x3  }
0x36: {  	p1 =	seq.s32 s10, $0x1;
	s10 =	sld [smem:$0x3FBA];
	_ =	sdelay $0x3  }
0x37: {  	[smem:$0x3FBA] =	sst s10  }
0x38: {  	s10 =	sld [smem:$0x3FBB]  }
0x39: {  	_ = 	snop;
	(pc) =	sbr.ind lr, $3  }
0x3a: {  	_ = 	snop  }
0x3b: {  	_ = 	snop  }
0x3c: {  	p2 =	seq.s32 s10, $0x1;
	s10 =	sld [smem:$0x3FBA]  }
0x3d: {  	_ =	shalt  }
0x3e: {  	_ =	shalt  }
0x3f: {  	_ =	shalt  }
0x40: {  	_ =	shalt  }
0x41: {  	_ =	shalt  }
0x42: {  	_ =	shalt  }
0x43: {  	_ =	shalt  }
0x44: {  	_ =	shalt  }
0x45: {  	_ =	shalt  }
0x46: {  	_ =	shalt  }
0x47: {  	_ =	shalt  }
0x48: {  	_ =	shalt  }
0x49: {  	_ =	shalt  }
0x4a: {  	_ =	shalt  }
0x4b: {  	_ =	shalt  }
0x4c: {  	_ =	shalt  }
0x4d: {  	_ =	shalt  }
0x4e: {  	_ =	shalt  }
0x4f: {  	_ =	shalt  }
0x50: {  	_ =	shalt  }
0x51: {  	_ =	shalt  }
0x52: {  	_ =	shalt  }
0x53: {  	_ =	shalt  }
0x54: {  	_ =	shalt  }
0x55: {  	_ =	shalt  }
0x56: {  	_ =	shalt  }
0x57: {  	_ =	shalt  }
0x58: {  	_ =	shalt  }
0x59: {  	_ =	shalt  }
0x5a: {  	_ =	shalt  }
0x5b: {  	_ =	shalt  }
0x5c: {  	_ =	shalt  }
0x5d: {  	_ =	shalt  }
0x5e: {  	_ =	shalt  }
0x5f: {  	_ =	shalt  }
0x60: {  	_ =	shalt  }
0x61: {  	_ =	shalt  }
0x62: {  	_ =	shalt  }
0x63: {  	_ =	shalt  }
0x64: {  	_ =	shalt  }
0x65: {  	_ =	shalt  }
0x66: {  	_ =	shalt  }
0x67: {  	_ =	shalt  }
0x68: {  	_ =	shalt  }
0x69: {  	_ =	shalt  }
0x6a: {  	_ =	shalt  }
0x6b: {  	_ =	shalt  }
0x6c: {  	_ =	shalt  }
0x6d: {  	_ =	shalt  }
0x6e: {  	_ =	shalt  }
0x6f: {  	_ =	shalt  }
0x70: {  	_ =	shalt  }
0x71: {  	_ =	shalt  }
0x72: {  	_ =	shalt  }
0x73: {  	_ =	shalt  }
0x74: {  	_ =	shalt  }
0x75: {  	_ =	shalt  }
0x76: {  	_ =	shalt  }
0x77: {  	_ =	shalt  }
0x78: {  	_ =	shalt  }
0x79: {  	_ =	shalt  }
0x7a: {  	_ =	shalt  }
0x7b: {  	_ =	shalt  }
0x7c: {  	_ =	shalt  }
0x7d: {  	_ =	shalt  }
0x7e: {  	_ =	shalt  }
0x7f: {  	_ =	shalt  }
0x80: {  	_ =	shalt  }
0x81: {  	_ =	shalt  }
0x82: {  	_ =	shalt  }
0x83: {  	_ =	shalt  }
0x84: {  	_ =	shalt  }
0x85: {  	_ =	shalt  }
0x86: {  	_ =	shalt  }
0x87: {  	_ =	shalt  }
.Lfunc_end0:
.L_simem_size_0:
called_computation_lowered:
.L_overlay_start_0:
0x88: {  	s2 =	sld [smem:$0x3FD9]  }
0x89: {  	s3 =	sld [smem:$0x3FFE];
	_ =	sdelay $0x1  }
0x8a: {  	s1 =	srdreg.scid  }
0x8b: {  	s0 =	sand.u32 $0x1, s1  }
0x8c: {  	s17 =	sshll.u32 s0, $0xA;
	s2 =	sadd.s32 s3, s2  }
0x8d: {  	s2 =	sadd.s32 s2, s17  }
0x8e: {  	[smem:$0x3FC6] =	sst s2  }
0x8f: {  	_ = 	snop  }
0x90: {  	s2 =	sld [smem:$0x3FC8]  }
0x91: {  	s18 =	sld [smem:$0x3FD0];
	(tm) =	ssettm $0x1  }
0x92: {  	s4 =	sld [smem:$0x3FFB];
	_ =	sdelay $0x3  }
0x93: {  	_ =	strace s4  }
0x94: {  	s4 =	sld [smem:$0x3FFC];
	_ =	sdelay $0x3  }
0x95: {  	_ =	strace s4  }
0x96: {  	s4 =	sld [smem:$0x3FFD];
	_ =	sdelay $0x3  }
0x97: {  	_ =	strace s4  }
0x98: {  	_ =	strace $0x8FFFFFFF  }
0x99: {  	s19 =	sld [smem:$0x3FDB];
	_ =	sdelay $0x1  }
0x9a: {  	s5 =	simm.s32 $_scs_section_size  }
0x9b: {  	s6 =	simm.s32 $_size__tile_overlayer_lowered;
	s7 =	simm.s32 $_tile_overlayer_lowered  }
0x9c: {  	s22 =	simm.s32 $0x1BFF;
	s21 =	sshll.u32 s7, $0x1;
	s4 =	sadd.s32 s5, s19  }
0x9d: {  	s8 =	simm.s32 $0x0;
	s20 =	sshll.u32 s6, $0x1;
	s6 =	sadd.s32 s21, s4  }
0x9e: {  	[timem:s8], [sflag:s22] =	dma.local [hbm:s6], s20  }
0x9f: {  	_ =	swait.ge [sflag:s22], s20  }
0xa0: {  	s5 =	ssub.s32 $0x0, s20;
	[sflag:s22] =	ssyncset.done $0x0  }
0xa1: {  	[sflag:s22] =	ssyncadd.s32 s5;
	_ =	sdelay $0x1  }
0xa2: {  	s23 =	simm.s32 $0x1B8B  }
0xa3: {  	_ =	swait.ge [sflag:s23], $0x1  }
0xa4: {  	[sflag:s23] =	ssyncset.done $0x0  }
0xa5: {  	s25 =	simm.s32 $0x1B8E;
	s24 =	sld [smem:$0x3FFE];
	[sflag:s23] =	ssyncadd.s32 $0xFFFFFFFF  }
0xa6: {  	s26 =	simm.s32 $execute0_lowered;
	[smem:$0x3FD2] =	sst s25  }
0xa7: {  	s6 =	sshll.u32 s26, $0x1;
	_ =	strace $0x80000046;
	[dreg:$0x1] =	wrdreg $0xFFFFFFFF  }
0xa8: {  	s28 =	simm.s32 $_size_execute0_lowered;
	s4 =	sadd.s32 s4, s6;
	[dreg:$0x0] =	wrdreg $0x0  }
0xa9: {  	s6 =	sshll.u32 s28, $0x1;
	[dreg:$0x2] =	wrdreg s4  }
0xaa: {  	[dreg:$0x3] =	wrdreg s6  }
0xab: {  	[dreg:$0x4] =	wrdreg $0xC0  }
0xac: {  	_ =	task [dreg:s8], $0x5FFFF  }
0xad: {  	[dreg:$0x1] =	wrdreg $0xFFFFFFFF  }
0xae: {  	[dreg:$0x0] =	wrdreg $0x60  }
0xaf: {  	[dreg:$0x2] =	wrdreg s24  }
0xb0: {  	[dreg:$0x3] =	wrdreg s2  }
0xb1: {  	[dreg:$0x4] =	wrdreg s18  }
0xb2: {  	[dreg:$0x5] =	wrdreg $0x0  }
0xb3: {  	[dreg:$0x6] =	wrdreg $0x9  }
0xb4: {  	_ =	task.clear_ibuf [dreg:s8], $0x7FFFF;
	_ =	strace $0x90000046  }
0xb5: {  	s29 =	simm.s32 $0x9;
	_ =	strace $0x80000048  }
0xb6: {  	_ =	swait.ge [sflag:s29], $0x1  }
0xb7: {  	[sflag:s29] =	ssyncadd.s32 $0xFFFFFFFF  }
0xb8: {  	_ =	strace $0x90000048  }
0xb9: {  	_ =	sfence  }
0xba: {  	s30 =	sld [smem:$0x0];
	_ =	sdelay $0x2  }
0xbb: {  	s31 =	sshll.u32 s1, $0xD;
	s1 =	sshrl.u32 s1, $0x2  }
0xbc: {  	s3 =	sand.u32 $0x4000, s31;
	s1 =	sadd.s32 s1, s30  }
0xbd: {  	s0 =	sor.u32 s3, s0;
	s1 =	sshll.u32 s1, $0x11  }
0xbe: {  	s0 =	sor.u32 s1, s0  }
0xbf: {  	s0 =	sadd.s32 $0x8F2B, s0  }
0xc0: {  	[sflag:s0] =	ssyncadd.remote.s32 $0x1  }
0xc1: {  	_ =	sfence.sel $0xFFFF  }
0xc2: {  	[dreg:$0x0] =	wrdreg $0xFFFFFFFF;
	(pc) =	sbr.abs _section_cstart, $3  }
0xc3: {  	[dreg:$0x1] =	wrdreg $0xFFFFFFFF  }
0xc4: {  	_ =	task.clear_ibuf [dreg:s8], $0x2FFFF;
	_ =	strace $0x9FFFFFFF  }
0xc5: {  	(tm) =	ssettm $0x7FFFFFFF  }
tec
execute0_lowered:
.L_overlay_start_1:
0x0: {  	(tag) =	ssettag $0x1  }
0x1: {  	s4 =	rddreg [dreg:$0x0]  }
0x2: {  	s13 =	rddreg [dreg:$0x2]  }
0x3: {  	s1 =	srdreg.scid;
	s16 =	stileid.u32  }
0x4: {  	s2 =	rddreg [dreg:$0x3];
	s3 =	simm.s32 $0x0;
	s21 =	simm.s32 $0x2340  }
0x5: {  	s22 =	simm.s32 $0x3;
	s28 =	simm.s32 $0x6;
	s17 =	smul.u32 $0xC800, s16  }
0x6: {  	s29 =	simm.s32 $0x0;
	s14 =	sand.u32 $0x1, s1;
	s26 =	smul.u32 $0xC8000, s16  }
0x7: {  	s5 =	sshll.u32 s16, $0x1;
	[smem:$0x7FF] =	sst s3;
	s19 =	smul.u32 $0x6400, s14  }
0x8: {  	s15 =	sadd.s32 $0x400, s4;
	s5 =	sor.u32 s14, s5;
	s20 =	smul.u32 $0x64000, s14  }
0x9: {  	p0 =	sne.s32 s16, $0x0;
	s6 =	ssub.s32 $0x2, s14;
	s9 =	smul.u32 $0x6400, s5  }
0xa: {  	s16 =	simm.s32 $0x1F40;
	s7 =	smul.u32 $0x320000, s5;
	s8 =	sshrl.u32 s6, $0x1  }
0xb: {  	_ =	strace $0x80000047;
	s10 =	smul.u32 $0x64000, s5;
	s12 =	ssub.s32 s6, s8  }
0xc: {  	s17 =	sadd.s32 s19, s17;
	s23 =	sshrl.u32 s9, $0x3;
	s24 =	sshrl.u32 s7, $0x3  }
0xd: {  	s6 =	sadd.s32 s13, s10;
	s9 =	sadd.s32 $0x6270, s9;
	s12 =	smax.u32 s12, $0x1  }
0xe: {  	s19 =	sadd.s32 $0x640, s17;
	s17 =	sadd.s32 $0x4B0, s17;
	s4 =	sadd.s32 s15, s23  }
0xf: {  	s25 =	sadd.s32 s13, s24;
	s11 =	sshrl.u32 s9, $0x3;
	s18 =	sshll.u32 s9, $0x4  }
0x10: {  	s30 =	sshrl.u32 s19, $0x3;
	s17 =	sshrl.u32 s17, $0x3;
	s19 =	simm.s32 $0x1  }
0x11: {  	s23 =	simm.s32 $0x2;
	s24 =	simm.s32 $0xEB40;
	s5 =	sadd.s32 $0x32, s4  }
0x12: {  	s7 =	sadd.s32 $0x64, s4;
	s8 =	sadd.s32 $0x5F500, s25;
	s9 =	sadd.s32 s15, s11  }
0x13: {  	s10 =	sadd.s32 $0x60E00, s25;
	s11 =	sadd.s32 s13, s18;
	s18 =	sadd.s32 s26, s13  }
0x14: {  	s13 =	sadd.s32 s30, s15;
	s14 =	sadd.s32 s17, s15;
	s17 =	simm.s32 $0x2140  }
0x15: {  	s25 =	simm.s32 $0x4;
	s26 =	simm.s32 $0x5;
	s31 =	sadd.s32 s20, s18  }
0x16: {  	s18 =	sshrl.u32 @!p0 s2, $0x3;
	s20 =	simm.s32 $0x190;
	s15 =	sadd.s32 $0x1900, s31  }
.LBB2_1:
0x17: {  	[tilespmem:s16], [sflag:$0x1] =	stream.linear.gather [hbm4b:s4+s3], $0x190, $0x38;
	[tilespmem:$0x1B340] =	vst v63  }
0x18: {  	s30 =	simm.s32 @!p0 $0x1C07;
	s0 =	rddreg [dreg:$0x1]  }
0x19: {  	[tilespmem:s17], [sflag:$0x2] =	stream.linear.gather [hbm4b:s5+s3], $0x190, $0x38;
	[tilespmem:$0x1B340] =	vst v63  }
0x1a: {  	[spmem:s18], [sflag:s30] =	dma.local @!p0 [hbm:s0], $0x3E80  }
0x1b: {  	s30 =	simm.s32 @!p0 $0x7  }
0x1c: {  	_ =	swait.ge @!p0 [sflag:s30], $0x3E80  }
0x1d: {  	[sflag:s30] =	ssyncset.done @!p0 $0x0  }
0x1e: {  	[sflag:s30] =	ssyncadd.s32 @!p0 $0xFFFFC180  }
0x1f: {  	[bflag:$0x0] =	sbarrier.arrive $0xFFFF  }
0x20: {  	_ =	swait.ge [sflag:s19], $0x190  }
0x21: {  	[sflag:s19] =	ssyncset.done $0x0  }
0x22: {  	[sflag:s19] =	ssyncadd.s32 $0xFFFFFE70  }
0x23: {  	[tilespmem:s21], [sflag:$0x3] =	stream.indirect.gather [spmem:s2], $0x80, s16, s20, $0xb8;
	[tilespmem:$0x1B340] =	vst v63  }
0x24: {  	_ =	swait.ge [sflag:s22], $0xC800  }
0x25: {  	[sflag:s22] =	ssyncset.done $0x0  }
0x26: {  	[sflag:s22] =	ssyncadd.s32 $0xFFFF3800  }
0x27: {  	[hbm4b:s6+s3] =	stream.linear.scatter [tilespmem:s21], [sflag:$0x5], $0xC800, $0x38;
	[tilespmem:$0x1B340] =	vst v63  }
0x28: {  	_ = 	snop  }
0x29: {  	[tilespmem:s16], [sflag:$0x1] =	stream.linear.gather [hbm4b:s7+s3], $0x190, $0x38;
	[tilespmem:$0x1B340] =	vst v63  }
0x2a: {  	_ =	swait.ge [sflag:s23], $0x190  }
0x2b: {  	[sflag:s23] =	ssyncset.done $0x0  }
0x2c: {  	[sflag:s23] =	ssyncadd.s32 $0xFFFFFE70  }
0x2d: {  	[tilespmem:s24], [sflag:$0x4] =	stream.indirect.gather [spmem:s2], $0x80, s17, s20, $0xb8;
	[tilespmem:$0x1B340] =	vst v63  }
0x2e: {  	_ =	swait.ge [sflag:s25], $0xC800  }
0x2f: {  	[sflag:s25] =	ssyncset.done $0x0  }
0x30: {  	[sflag:s25] =	ssyncadd.s32 $0xFFFF3800  }
0x31: {  	[hbm4b:s15+s3] =	stream.linear.scatter [tilespmem:s24], [sflag:$0x6], $0xC800, $0x38;
	[tilespmem:$0x1B340] =	vst v63  }
0x32: {  	s30 =	sadd.s32 $0x0, s14  }
0x33: {  	[tilespmem:s17], [sflag:$0x2] =	stream.linear.gather [hbm4b:s30+s3], $0x190, $0x38;
	[tilespmem:$0x1B340] =	vst v63  }
0x34: {  	_ =	swait.ge [sflag:s19], $0x190  }
0x35: {  	[sflag:s19] =	ssyncset.done $0x0  }
0x36: {  	[sflag:s19] =	ssyncadd.s32 $0xFFFFFE70  }
0x37: {  	_ =	swait.ge [sflag:s26], $0xC800  }
0x38: {  	[sflag:s26] =	ssyncset.done $0x0  }
0x39: {  	[sflag:s26] =	ssyncadd.s32 $0xFFFF3800  }
0x3a: {  	[tilespmem:s21], [sflag:$0x3] =	stream.indirect.gather [spmem:s2], $0x80, s16, s20, $0xb8;
	[tilespmem:$0x1B340] =	vst v63  }
0x3b: {  	_ =	swait.ge [sflag:s22], $0xC800  }
0x3c: {  	[sflag:s22] =	ssyncset.done $0x0  }
0x3d: {  	s30 =	sadd.s32 $0x1900, s15;
	[sflag:s22] =	ssyncadd.s32 $0xFFFF3800  }
0x3e: {  	[hbm4b:s30+s3] =	stream.linear.scatter [tilespmem:s21], [sflag:$0x5], $0xC800, $0x38;
	[tilespmem:$0x1B340] =	vst v63  }
0x3f: {  	s30 =	sadd.s32 $0x0, s13  }
0x40: {  	[tilespmem:s16], [sflag:$0x1] =	stream.linear.gather [hbm4b:s30+s3], $0x190, $0x38;
	[tilespmem:$0x1B340] =	vst v63  }
0x41: {  	_ =	swait.ge [sflag:s23], $0x190  }
0x42: {  	[sflag:s23] =	ssyncset.done $0x0  }
0x43: {  	[sflag:s23] =	ssyncadd.s32 $0xFFFFFE70  }
0x44: {  	_ =	swait.ge [sflag:s28], $0xC800  }
0x45: {  	[sflag:s28] =	ssyncset.done $0x0  }
0x46: {  	s31 =	sadd.s32 $0x3200, s15;
	s30 =	simm.s32 $0x64;
	[sflag:s28] =	ssyncadd.s32 $0xFFFF3800  }
.LBB2_2:
0x47: {  	[tilespmem:s24], [sflag:$0x4] =	stream.indirect.gather [spmem:s2], $0x80, s17, s20, $0xb8;
	[tilespmem:$0x1B340] =	vst v63  }
0x48: {  	s1 =	smov.u32 s30  }
0x49: {  	p1 =	sne.s32 s30, $0xB54;
	s30 =	sadd.s32 $0x64, s30;
	_ =	swait.ge [sflag:s25], $0xC800  }
0x4a: {  	[sflag:s25] =	ssyncset.done $0x0  }
0x4b: {  	[sflag:s25] =	ssyncadd.s32 $0xFFFF3800  }
0x4c: {  	[hbm4b:s31+s3] =	stream.linear.scatter [tilespmem:s24], [sflag:$0x6], $0xC800, $0x38;
	[tilespmem:$0x1B340] =	vst v63  }
0x4d: {  	s0 =	sadd.s32 s1, s14  }
0x4e: {  	[tilespmem:s17], [sflag:$0x2] =	stream.linear.gather [hbm4b:s0+s3], $0x190, $0x38;
	[tilespmem:$0x1B340] =	vst v63  }
0x4f: {  	_ =	swait.ge [sflag:s19], $0x190  }
0x50: {  	[sflag:s19] =	ssyncset.done $0x0  }
0x51: {  	[sflag:s19] =	ssyncadd.s32 $0xFFFFFE70  }
0x52: {  	_ =	swait.ge [sflag:s26], $0xC800  }
0x53: {  	[sflag:s26] =	ssyncset.done $0x0  }
0x54: {  	[sflag:s26] =	ssyncadd.s32 $0xFFFF3800  }
0x55: {  	[tilespmem:s21], [sflag:$0x3] =	stream.indirect.gather [spmem:s2], $0x80, s16, s20, $0xb8;
	[tilespmem:$0x1B340] =	vst v63  }
0x56: {  	_ =	swait.ge [sflag:s22], $0xC800  }
0x57: {  	[sflag:s22] =	ssyncset.done $0x0  }
0x58: {  	s0 =	sadd.s32 $0x1900, s31;
	[sflag:s22] =	ssyncadd.s32 $0xFFFF3800  }
0x59: {  	[hbm4b:s0+s3] =	stream.linear.scatter [tilespmem:s21], [sflag:$0x5], $0xC800, $0x38;
	[tilespmem:$0x1B340] =	vst v63  }
0x5a: {  	s0 =	sadd.s32 s1, s13  }
0x5b: {  	[tilespmem:s16], [sflag:$0x1] =	stream.linear.gather [hbm4b:s0+s3], $0x190, $0x38;
	[tilespmem:$0x1B340] =	vst v63  }
0x5c: {  	_ =	swait.ge [sflag:s23], $0x190  }
.Ltmp0:
0x5d: {  	[sflag:s23] =	ssyncset.done $0x0;
	(pc) =	sbr.rel @p1 .LBB2_2-.Ltmp0, $4  }
0x5e: {  	[sflag:s23] =	ssyncadd.s32 $0xFFFFFE70  }
0x5f: {  	_ =	swait.ge [sflag:s28], $0xC800  }
0x60: {  	[sflag:s28] =	ssyncset.done $0x0  }
0x61: {  	s31 =	sadd.s32 $0x3200, s31;
	[sflag:s28] =	ssyncadd.s32 $0xFFFF3800  }
0x62: {  	[tilespmem:s24], [sflag:$0x4] =	stream.indirect.gather [spmem:s2], $0x80, s17, s20, $0xb8;
	[tilespmem:$0x1B340] =	vst v63  }
0x63: {  	_ =	swait.ge [sflag:s25], $0xC800  }
0x64: {  	[sflag:s25] =	ssyncset.done $0x0  }
0x65: {  	[sflag:s25] =	ssyncadd.s32 $0xFFFF3800  }
0x66: {  	[hbm4b:s8+s3] =	stream.linear.scatter [tilespmem:s24], [sflag:$0x6], $0xC800, $0x38;
	[tilespmem:$0x1B340] =	vst v63  }
0x67: {  	_ = 	snop  }
0x68: {  	[tilespmem:s17], [sflag:$0x2] =	stream.linear.gather [hbm4b:s9+s3], $0x190, $0x38;
	[tilespmem:$0x1B340] =	vst v63  }
0x69: {  	_ =	swait.ge [sflag:s19], $0x190  }
0x6a: {  	[sflag:s19] =	ssyncset.done $0x0  }
0x6b: {  	[sflag:s19] =	ssyncadd.s32 $0xFFFFFE70  }
0x6c: {  	_ =	swait.ge [sflag:s26], $0xC800  }
0x6d: {  	[sflag:s26] =	ssyncset.done $0x0  }
0x6e: {  	[sflag:s26] =	ssyncadd.s32 $0xFFFF3800  }
0x6f: {  	[tilespmem:s21], [sflag:$0x3] =	stream.indirect.gather [spmem:s2], $0x80, s16, s20, $0xb8;
	[tilespmem:$0x1B340] =	vst v63  }
0x70: {  	_ =	swait.ge [sflag:s22], $0xC800  }
0x71: {  	[sflag:s22] =	ssyncset.done $0x0  }
0x72: {  	[sflag:s22] =	ssyncadd.s32 $0xFFFF3800  }
0x73: {  	[hbm4b:s10+s3] =	stream.linear.scatter [tilespmem:s21], [sflag:$0x5], $0xC800, $0x38;
	[tilespmem:$0x1B340] =	vst v63  }
0x74: {  	_ =	swait.ge [sflag:s23], $0x190  }
0x75: {  	[sflag:s23] =	ssyncset.done $0x0  }
0x76: {  	[sflag:s23] =	ssyncadd.s32 $0xFFFFFE70  }
0x77: {  	_ =	swait.ge [sflag:s28], $0xC800  }
0x78: {  	[sflag:s28] =	ssyncset.done $0x0  }
0x79: {  	[sflag:s28] =	ssyncadd.s32 $0xFFFF3800  }
0x7a: {  	[tilespmem:s24], [sflag:$0x4] =	stream.indirect.gather [spmem:s2], $0x80, s17, s20, $0xb8;
	[tilespmem:$0x1B340] =	vst v63  }
0x7b: {  	_ =	swait.ge [sflag:s25], $0xC800  }
0x7c: {  	[sflag:s25] =	ssyncset.done $0x0  }
0x7d: {  	s29 =	sadd.s32 $0x1, s29;
	[sflag:s25] =	ssyncadd.s32 $0xFFFF3800  }
0x7e: {  	[hbm4b:s11+s3] =	stream.linear.scatter [tilespmem:s24], [sflag:$0x6], $0xC800, $0x38;
	[tilespmem:$0x1B340] =	vst v63  }
0x7f: {  	p1 =	sne.s32 s29, s12;
	_ =	swait.ge [sflag:s26], $0xC800  }
.Ltmp1:
0x80: {  	[sflag:s26] =	ssyncset.done $0x0;
	(pc) =	sbr.rel @p1 .LBB2_1-.Ltmp1, $4  }
0x81: {  	[sflag:s26] =	ssyncadd.s32 $0xFFFF3800  }
0x82: {  	_ =	swait.ge [sflag:s28], $0xC800  }
0x83: {  	[sflag:s28] =	ssyncset.done $0x0  }
0x84: {  	[sflag:s28] =	ssyncadd.s32 $0xFFFF3800  }
0x85: {  	_ =	sfence.sel $0x180000  }
0x86: {  	[bflag:$0x0] =	sbarrier.arrive $0xFFFF  }
0x87: {  	_ =	strace $0x90000047  }
0x88: {  	[bflag:$0x2] =	sbarrier.arrive $0xFFFF  }
0x89: {  	s0 =	rddreg [dreg:$0x4]  }
0x8a: {  	s0 =	sadd.s32 @!p0 $0x100000, s0  }
0x8b: {  	[sflag:s0] =	ssyncadd.tile.s32 @!p0 $0x1;
	_ =	shalt  }
.Lfunc_end2:
_tile_overlayer_lowered:
.L_overlay_start_2:
0x8c: {  	(tag) =	ssettag $0x2  }
0x8d: {  	s0 =	rddreg [dreg:$0x0];
	s2 =	stileid.u32  }
0x8e: {  	s1 =	rddreg [dreg:$0x1];
	p0 =	sne.s32 s2, $0x0  }
0x8f: {  	s3 =	rddreg [dreg:$0x2];
	[bflag:$0x3] =	sbarrier.arrive $0xFFFF;
	s2 =	simm.s32 @!p0 $0x1C07  }
0x90: {  	[timem:s3], [sflag:s2] =	dma.local @!p0 [hbm:s0], s1  }
0x91: {  	s0 =	simm.s32 @!p0 $0x7  }
0x92: {  	_ =	swait.ge @!p0 [sflag:s0], s1  }
0x93: {  	s1 =	ssub.s32 @!p0 $0x0, s1;
	[sflag:s0] =	ssyncset.done @!p0 $0x0  }
0x94: {  	[sflag:s0] =	ssyncadd.s32 @!p0 s1  }
0x95: {  	[bflag:$0x3] =	sbarrier.arrive $0xFFFF  }
0x96: {  	_ =	shalt  }

</sc_bundles>
